<compile_context>
chip_gen: v7x
topology: tpu7x:2x2x1
jax: 0.10.2.dev20260603
libtpu: 0.0.44.dev20260713+nightly
codegen_flags: <defaults>
</compile_context>

<pallas_src>
import jax
import jax.numpy as jnp
from jax import lax
from jax.experimental import pallas as pl
from jax.experimental.pallas import tpu as pltpu
from jax.experimental.pallas import tpu_sc as plsc

K = 8192
B = 64
HW = 32
NPIX = HW * HW
L = 16
NC = 2
NS = 16
NG = B // L


def _table_body(cbt_ref, wt_ref, b_ref, out_ref):
    logits = lax.dot_general(wt_ref[...], cbt_ref[...],
                             (((1,), (0,)), ((), ())),
                             preferred_element_type=jnp.float32)
    se = jax.nn.sigmoid(logits[0:1, :] + b_ref[0])
    sn = jax.nn.sigmoid(logits[1:2, :] + b_ref[1])
    eu = lax.bitcast_convert_type(se.astype(jnp.bfloat16),
                                  jnp.uint16).astype(jnp.uint32)
    nu = lax.bitcast_convert_type(sn.astype(jnp.bfloat16),
                                  jnp.uint16).astype(jnp.uint32)
    out_ref[...] = lax.bitcast_convert_type(eu | (nu << 16),
                                            jnp.int32).reshape(K)


def _gather_body(tbl_hbm, zt_hbm,
                 endo_hbm, nuc_hbm, means_hbm,
                 tbl_v, zrow_v, oute_v, outn_v,
                 partial_v, red_v, mean_v, shared, sem1, sem2, sem3):
    core = lax.axis_index("c")
    sid = lax.axis_index("s")
    h = sid * NC + core
    c1 = pltpu.async_copy(tbl_hbm, tbl_v, sem1)
    c3 = pltpu.async_copy(zt_hbm.at[h], zrow_v, sem3)
    c1.wait()
    c3.wait()
    hi_mask = jnp.full((L,), -65536, jnp.int32)

    def body(w, accs):
        accs = list(accs)
        for g in range(NG):
            idx = zrow_v[w, pl.ds(g * L, L)]
            u = plsc.load_gather(tbl_v, [idx])
            e = plsc.bitcast(u << 16, jnp.float32)
            n = plsc.bitcast(u & hi_mask, jnp.float32)
            oute_v[w, pl.ds(g * L, L)] = e
            outn_v[w, pl.ds(g * L, L)] = n
            accs[g] = accs[g] + e
            accs[NG + g] = accs[NG + g] + n
        return tuple(accs)

    zero = jnp.zeros((L,), jnp.float32)
    accs = lax.fori_loop(0, HW, body, (zero,) * (2 * NG))
    o1 = pltpu.async_copy(oute_v, endo_hbm.at[h], sem1)
    o2 = pltpu.async_copy(outn_v, nuc_hbm.at[h], sem2)
    for g in range(2 * NG):
        partial_v[pl.ds(g * L, L)] = accs[g] * (1.0 / NPIX)
    pltpu.sync_copy(partial_v, shared.at[sid])
    plsc.subcore_barrier()

    @pl.when(sid < 2 * NG)
    def _():
        pltpu.sync_copy(shared, red_v)
        g0 = sid * L
        acc = red_v[0, pl.ds(g0, L)]
        for r in range(1, NS):
            acc = acc + red_v[r, pl.ds(g0, L)]
        mean_v[pl.ds(0, L)] = acc
        pltpu.sync_copy(mean_v.at[pl.ds(0, L)],
                        means_hbm.at[pl.ds(core * 2 * B + g0, L)])

    o1.wait()
    o2.wait()


def kernel(z, codebook, lin_w, lin_b):
    tbl = pl.pallas_call(
        _table_body,
        out_shape=jax.ShapeDtypeStruct((K,), jnp.int32),
        in_specs=[
            pl.BlockSpec(memory_space=pltpu.VMEM),
            pl.BlockSpec(memory_space=pltpu.VMEM),
            pl.BlockSpec(memory_space=pltpu.SMEM),
        ],
    )(codebook.T, lin_w.T, lin_b)
    zt = z.transpose(1, 2, 0).astype(jnp.int32)

    mesh = plsc.VectorSubcoreMesh(core_axis_name="c", subcore_axis_name="s")
    sc = pl.kernel(
        _gather_body,
        mesh=mesh,
        compiler_params=pltpu.CompilerParams(needs_layout_passes=False),
        out_type=[
            jax.ShapeDtypeStruct((HW, HW, B), jnp.float32),
            jax.ShapeDtypeStruct((HW, HW, B), jnp.float32),
            jax.ShapeDtypeStruct((NC * 2 * B,), jnp.float32),
        ],
        scratch_types=[
            pltpu.VMEM((K,), jnp.int32),
            pltpu.VMEM((HW, B), jnp.int32),
            pltpu.VMEM((HW, B), jnp.float32),
            pltpu.VMEM((HW, B), jnp.float32),
            pltpu.VMEM((2 * B,), jnp.float32),
            pltpu.VMEM((NS, 2 * B), jnp.float32),
            pltpu.VMEM((2 * B,), jnp.float32),
            pltpu.VMEM_SHARED((NS, 2 * B), jnp.float32),
            pltpu.SemaphoreType.DMA,
            pltpu.SemaphoreType.DMA,
            pltpu.SemaphoreType.DMA,
        ],
    )
    oute, outn, means = sc(tbl, zt)
    endosome = oute.transpose(2, 0, 1).reshape(B, 1, HW, HW)
    nuclear = outn.transpose(2, 0, 1).reshape(B, 1, HW, HW)
    alea = (means[:B] + means[2 * B:3 * B]).reshape(B, 1)
    epis = (means[B:2 * B] + means[3 * B:]).reshape(B, 1)
    return (endosome, nuclear, alea, epis)

# --- scband reference (transcript-rebuilt; emitter-appended) ---
"""Pipeline reference for scband-decoder-explainer-25520695673339 (READ-ONLY COPY).

The authoritative reference and input builder live on the scoring server;
editing this copy changes nothing except your own understanding.
"""

import jax, jax.numpy as jnp
import numpy as np

K = 8192
D = 64
B, H, W = 64, 32, 32

def setup_inputs(seed: int = 0) -> dict:
    key = jax.random.key(seed)
    k1, k2, k3, k4 = jax.random.split(key, 4)
    z = jax.random.randint(k1, (B, H, W), 0, K, dtype=jnp.int64)
    codebook = jax.random.normal(k2, (K, D), dtype=jnp.float32)
    lin_w = jax.random.normal(k3, (D, 2), dtype=jnp.float32) * (1.0 / np.sqrt(D))
    lin_b = jax.random.normal(k4, (2,), dtype=jnp.float32) * 0.01
    return {"z": z, "codebook": codebook, "lin_w": lin_w, "lin_b": lin_b}

def reference(z, codebook, lin_w, lin_b):
    b, h, w = z.shape
    d = codebook.shape[1]
    # embedding lookup: cb.embed(z.view(B,-1)).view(B,H,W,d)
    vecs = jnp.take(codebook, z.reshape(b, -1), axis=0).reshape(b, h, w, d)
    # linear to 2 channels, then permute to NCHW
    logits = (vecs @ lin_w + lin_b).transpose(0, 3, 1, 2)
    endosome = jax.nn.sigmoid(logits[:, :1])
    nuclear = jax.nn.sigmoid(logits[:, 1:2])
    alea = endosome.mean(axis=(2, 3))
    epis = nuclear.mean(axis=(2, 3))
    return (endosome, nuclear, alea, epis)

if __name__ == "__main__":
    import jax
    _d = setup_inputs()
    print(jax.jit(kernel)(*tuple(_d.values())))

</pallas_src>

<mosaic_0001>
#map = affine_map<(d0, d1) -> (0)>
#map1 = affine_map<(d0, d1) -> (0, 0, 0)>
module attributes {stable_mosaic.version = 14 : i64} {
  func.func @_gather_body(%arg0: i32, %arg1: i32, %arg2: memref<8192xi32, #tpu.memory_space<hbm>>, %arg3: memref<32x32x64xi32, #tpu.memory_space<hbm>>, %arg4: memref<32x32x64xf32, #tpu.memory_space<hbm>>, %arg5: memref<32x32x64xf32, #tpu.memory_space<hbm>>, %arg6: memref<256xf32, #tpu.memory_space<hbm>>, %arg7: memref<8192xi32, #tpu.memory_space<vmem>>, %arg8: memref<32x64xi32, #tpu.memory_space<vmem>>, %arg9: memref<32x64xf32, #tpu.memory_space<vmem>>, %arg10: memref<32x64xf32, #tpu.memory_space<vmem>>, %arg11: memref<128xf32, #tpu.memory_space<vmem>>, %arg12: memref<16x128xf32, #tpu.memory_space<vmem>>, %arg13: memref<128xf32, #tpu.memory_space<vmem>>, %arg14: memref<16x128xf32, #tpu.memory_space<vmem_shared>>, %arg15: memref<!tpu.dma_semaphore, #tpu.memory_space<semaphore_mem>>, %arg16: memref<!tpu.dma_semaphore, #tpu.memory_space<semaphore_mem>>, %arg17: memref<!tpu.dma_semaphore, #tpu.memory_space<semaphore_mem>>) attributes {dimension_semantics = [#tpu.dimension_semantics<core_parallel>, #tpu.dimension_semantics<subcore_parallel>], iteration_bounds = array<i64: 2, 16>, scalar_prefetch = 0 : i64, scratch_operands = 11 : i64, tpu.core_type = #tpu.core_type<sc_vector_subcore>, window_params = [{transform_indices = #map}, {transform_indices = #map1}, {transform_indices = #map1}, {transform_indices = #map1}, {transform_indices = #map}]} {
    %mul3A = arith.constant 2 : i32
    %mul3A_0 = arith.muli %arg1, %mul3A : i32
    %add3A = arith.addi %mul3A_0, %arg0 : i32
    tpu.enqueue_dma source(%arg2 : memref<8192xi32, #tpu.memory_space<hbm>>) target(%arg7 : memref<8192xi32, #tpu.memory_space<vmem>>) target_semaphore(%arg15 : memref<!tpu.dma_semaphore, #tpu.memory_space<semaphore_mem>>)
    %dma_start3A = arith.constant 0 : i32
    %dma_start3A_1 = arith.constant 0 : i32
    %dma_start3A_2 = tpu.memref_slice %arg3[%add3A, %dma_start3A, %dma_start3A_1] : memref<32x32x64xi32, #tpu.memory_space<hbm>> -> memref<1x32x64xi32, #tpu.memory_space<hbm>>
    %dma_start3A_3 = tpu.memref_squeeze %dma_start3A_2 : memref<1x32x64xi32, #tpu.memory_space<hbm>> -> memref<32x64xi32, #tpu.memory_space<hbm>>
    %dma_start3A_4 = arith.constant 0 : i32
    %dma_start3A_5 = arith.constant 0 : i32
    %dma_start3A_6 = tpu.memref_slice %arg3[%add3A, %dma_start3A_4, %dma_start3A_5] : memref<32x32x64xi32, #tpu.memory_space<hbm>> -> memref<1x32x64xi32, #tpu.memory_space<hbm>>
    %dma_start3A_7 = tpu.memref_squeeze %dma_start3A_6 : memref<1x32x64xi32, #tpu.memory_space<hbm>> -> memref<32x64xi32, #tpu.memory_space<hbm>>
    tpu.enqueue_dma source(%dma_start3A_7 : memref<32x64xi32, #tpu.memory_space<hbm>>) target(%arg8 : memref<32x64xi32, #tpu.memory_space<vmem>>) target_semaphore(%arg17 : memref<!tpu.dma_semaphore, #tpu.memory_space<semaphore_mem>>)
    tpu.wait_dma2 semaphore(%arg15 : memref<!tpu.dma_semaphore, #tpu.memory_space<semaphore_mem>>) src(%arg2 : memref<8192xi32, #tpu.memory_space<hbm>>) dst(%arg7 : memref<8192xi32, #tpu.memory_space<vmem>>)
    %dma_wait3A = arith.constant 0 : i32
    %dma_wait3A_8 = arith.constant 0 : i32
    %dma_wait3A_9 = tpu.memref_slice %arg3[%add3A, %dma_wait3A, %dma_wait3A_8] : memref<32x32x64xi32, #tpu.memory_space<hbm>> -> memref<1x32x64xi32, #tpu.memory_space<hbm>>
    %dma_wait3A_10 = tpu.memref_squeeze %dma_wait3A_9 : memref<1x32x64xi32, #tpu.memory_space<hbm>> -> memref<32x64xi32, #tpu.memory_space<hbm>>
    %dma_wait3A_11 = arith.constant 0 : i32
    %dma_wait3A_12 = arith.constant 0 : i32
    %dma_wait3A_13 = tpu.memref_slice %arg3[%add3A, %dma_wait3A_11, %dma_wait3A_12] : memref<32x32x64xi32, #tpu.memory_space<hbm>> -> memref<1x32x64xi32, #tpu.memory_space<hbm>>
    %dma_wait3A_14 = tpu.memref_squeeze %dma_wait3A_13 : memref<1x32x64xi32, #tpu.memory_space<hbm>> -> memref<32x64xi32, #tpu.memory_space<hbm>>
    tpu.wait_dma2 semaphore(%arg17 : memref<!tpu.dma_semaphore, #tpu.memory_space<semaphore_mem>>) src(%dma_wait3A_14 : memref<32x64xi32, #tpu.memory_space<hbm>>) dst(%arg8 : memref<32x64xi32, #tpu.memory_space<vmem>>)
    %broadcast_in_dim3A = arith.constant -65536 : i32
    %broadcast_in_dim3A_15 = vector.broadcast %broadcast_in_dim3A : i32 to vector<16xi32>
    %broadcast_in_dim3A_16 = arith.constant 0.000000e+00 : f32
    %broadcast_in_dim3A_17 = vector.broadcast %broadcast_in_dim3A_16 : f32 to vector<16xf32>
    %scan3A = arith.constant 0 : i32
    %scan3A_18 = arith.constant 32 : i32
    %scan3A_19 = arith.addi %scan3A, %scan3A_18 : i32
    %scan3A_20 = arith.constant 1 : i32
    %scan3A_21:8 = scf.for %scan3A_96 = %scan3A to %scan3A_19 step %scan3A_20 iter_args(%scan3A_97 = %broadcast_in_dim3A_17, %scan3A_98 = %broadcast_in_dim3A_17, %scan3A_99 = %broadcast_in_dim3A_17, %scan3A_100 = %broadcast_in_dim3A_17, %scan3A_101 = %broadcast_in_dim3A_17, %scan3A_102 = %broadcast_in_dim3A_17, %scan3A_103 = %broadcast_in_dim3A_17, %scan3A_104 = %broadcast_in_dim3A_17) -> (vector<16xf32>, vector<16xf32>, vector<16xf32>, vector<16xf32>, vector<16xf32>, vector<16xf32>, vector<16xf32>, vector<16xf32>)  : i32 {
      %get3A = arith.index_cast %scan3A_96 : i32 to index
      %get3A_105 = arith.constant 0 : index
      %get3A_106 = tpu.vector_load %arg8[%get3A, %get3A_105] {strides = array<i32>} : memref<32x64xi32, #tpu.memory_space<vmem>>, vector<16xi32>,
      %gather3A = tpu.vector_load_idx %arg7[%get3A_106] : memref<8192xi32, #tpu.memory_space<vmem>>[vector<16xi32>], vector<16xi32>,
      %shift_left3A = arith.constant 16 : i32
      %shift_left3A_107 = vector.broadcast %shift_left3A : i32 to vector<16xi32>
      %shift_left3A_108 = arith.shli %gather3A, %shift_left3A_107 : vector<16xi32>
      %bitcast3A = vector.bitcast %shift_left3A_108 : vector<16xi32> to vector<16xf32>
      %and3A = arith.andi %gather3A, %broadcast_in_dim3A_15 : vector<16xi32>
      %bitcast3A_109 = vector.bitcast %and3A : vector<16xi32> to vector<16xf32>
      %swap3A_110 = arith.index_cast %scan3A_96 : i32 to index
      %swap3A_111 = arith.constant 0 : index
      %swap3A_112 = tpu.vector_load %arg9[%swap3A_110, %swap3A_111] {strides = array<i32>} : memref<32x64xf32, #tpu.memory_space<vmem>>, vector<16xf32>,
      tpu.vector_store %arg9[%swap3A_110, %swap3A_111], %bitcast3A {strides = array<i32>} : memref<32x64xf32, #tpu.memory_space<vmem>>, vector<16xf32>,
      %swap3A_113 = arith.index_cast %scan3A_96 : i32 to index
      %swap3A_114 = arith.constant 0 : index
      %swap3A_115 = tpu.vector_load %arg10[%swap3A_113, %swap3A_114] {strides = array<i32>} : memref<32x64xf32, #tpu.memory_space<vmem>>, vector<16xf32>,
      tpu.vector_store %arg10[%swap3A_113, %swap3A_114], %bitcast3A_109 {strides = array<i32>} : memref<32x64xf32, #tpu.memory_space<vmem>>, vector<16xf32>,
      %add3A_116 = arith.addf %scan3A_97, %bitcast3A : vector<16xf32>
      %add3A_117 = arith.addf %scan3A_101, %bitcast3A_109 : vector<16xf32>
      %get3A_118 = arith.index_cast %scan3A_96 : i32 to index
      %get3A_119 = arith.constant 16 : index
      %get3A_120 = tpu.vector_load %arg8[%get3A_118, %get3A_119] {strides = array<i32>} : memref<32x64xi32, #tpu.memory_space<vmem>>, vector<16xi32>,
      %gather3A_121 = tpu.vector_load_idx %arg7[%get3A_120] : memref<8192xi32, #tpu.memory_space<vmem>>[vector<16xi32>], vector<16xi32>,
      %shift_left3A_122 = arith.constant 16 : i32
      %shift_left3A_123 = vector.broadcast %shift_left3A_122 : i32 to vector<16xi32>
      %shift_left3A_124 = arith.shli %gather3A_121, %shift_left3A_123 : vector<16xi32>
      %bitcast3A_125 = vector.bitcast %shift_left3A_124 : vector<16xi32> to vector<16xf32>
      %and3A_126 = arith.andi %gather3A_121, %broadcast_in_dim3A_15 : vector<16xi32>
      %bitcast3A_127 = vector.bitcast %and3A_126 : vector<16xi32> to vector<16xf32>
      %swap3A_128 = arith.index_cast %scan3A_96 : i32 to index
      %swap3A_129 = arith.constant 16 : index
      %swap3A_130 = tpu.vector_load %arg9[%swap3A_128, %swap3A_129] {strides = array<i32>} : memref<32x64xf32, #tpu.memory_space<vmem>>, vector<16xf32>,
      tpu.vector_store %arg9[%swap3A_128, %swap3A_129], %bitcast3A_125 {strides = array<i32>} : memref<32x64xf32, #tpu.memory_space<vmem>>, vector<16xf32>,
      %swap3A_131 = arith.index_cast %scan3A_96 : i32 to index
      %swap3A_132 = arith.constant 16 : index
      %swap3A_133 = tpu.vector_load %arg10[%swap3A_131, %swap3A_132] {strides = array<i32>} : memref<32x64xf32, #tpu.memory_space<vmem>>, vector<16xf32>,
      tpu.vector_store %arg10[%swap3A_131, %swap3A_132], %bitcast3A_127 {strides = array<i32>} : memref<32x64xf32, #tpu.memory_space<vmem>>, vector<16xf32>,
      %add3A_134 = arith.addf %scan3A_98, %bitcast3A_125 : vector<16xf32>
      %add3A_135 = arith.addf %scan3A_102, %bitcast3A_127 : vector<16xf32>
      %get3A_136 = arith.index_cast %scan3A_96 : i32 to index
      %get3A_137 = arith.constant 32 : index
      %get3A_138 = tpu.vector_load %arg8[%get3A_136, %get3A_137] {strides = array<i32>} : memref<32x64xi32, #tpu.memory_space<vmem>>, vector<16xi32>,
      %gather3A_139 = tpu.vector_load_idx %arg7[%get3A_138] : memref<8192xi32, #tpu.memory_space<vmem>>[vector<16xi32>], vector<16xi32>,
      %shift_left3A_140 = arith.constant 16 : i32
      %shift_left3A_141 = vector.broadcast %shift_left3A_140 : i32 to vector<16xi32>
      %shift_left3A_142 = arith.shli %gather3A_139, %shift_left3A_141 : vector<16xi32>
      %bitcast3A_143 = vector.bitcast %shift_left3A_142 : vector<16xi32> to vector<16xf32>
      %and3A_144 = arith.andi %gather3A_139, %broadcast_in_dim3A_15 : vector<16xi32>
      %bitcast3A_145 = vector.bitcast %and3A_144 : vector<16xi32> to vector<16xf32>
      %swap3A_146 = arith.index_cast %scan3A_96 : i32 to index
      %swap3A_147 = arith.constant 32 : index
      %swap3A_148 = tpu.vector_load %arg9[%swap3A_146, %swap3A_147] {strides = array<i32>} : memref<32x64xf32, #tpu.memory_space<vmem>>, vector<16xf32>,
      tpu.vector_store %arg9[%swap3A_146, %swap3A_147], %bitcast3A_143 {strides = array<i32>} : memref<32x64xf32, #tpu.memory_space<vmem>>, vector<16xf32>,
      %swap3A_149 = arith.index_cast %scan3A_96 : i32 to index
      %swap3A_150 = arith.constant 32 : index
      %swap3A_151 = tpu.vector_load %arg10[%swap3A_149, %swap3A_150] {strides = array<i32>} : memref<32x64xf32, #tpu.memory_space<vmem>>, vector<16xf32>,
      tpu.vector_store %arg10[%swap3A_149, %swap3A_150], %bitcast3A_145 {strides = array<i32>} : memref<32x64xf32, #tpu.memory_space<vmem>>, vector<16xf32>,
      %add3A_152 = arith.addf %scan3A_99, %bitcast3A_143 : vector<16xf32>
      %add3A_153 = arith.addf %scan3A_103, %bitcast3A_145 : vector<16xf32>
      %get3A_154 = arith.index_cast %scan3A_96 : i32 to index
      %get3A_155 = arith.constant 48 : index
      %get3A_156 = tpu.vector_load %arg8[%get3A_154, %get3A_155] {strides = array<i32>} : memref<32x64xi32, #tpu.memory_space<vmem>>, vector<16xi32>,
      %gather3A_157 = tpu.vector_load_idx %arg7[%get3A_156] : memref<8192xi32, #tpu.memory_space<vmem>>[vector<16xi32>], vector<16xi32>,
      %shift_left3A_158 = arith.constant 16 : i32
      %shift_left3A_159 = vector.broadcast %shift_left3A_158 : i32 to vector<16xi32>
      %shift_left3A_160 = arith.shli %gather3A_157, %shift_left3A_159 : vector<16xi32>
      %bitcast3A_161 = vector.bitcast %shift_left3A_160 : vector<16xi32> to vector<16xf32>
      %and3A_162 = arith.andi %gather3A_157, %broadcast_in_dim3A_15 : vector<16xi32>
      %bitcast3A_163 = vector.bitcast %and3A_162 : vector<16xi32> to vector<16xf32>
      %swap3A_164 = arith.index_cast %scan3A_96 : i32 to index
      %swap3A_165 = arith.constant 48 : index
      %swap3A_166 = tpu.vector_load %arg9[%swap3A_164, %swap3A_165] {strides = array<i32>} : memref<32x64xf32, #tpu.memory_space<vmem>>, vector<16xf32>,
      tpu.vector_store %arg9[%swap3A_164, %swap3A_165], %bitcast3A_161 {strides = array<i32>} : memref<32x64xf32, #tpu.memory_space<vmem>>, vector<16xf32>,
      %swap3A_167 = arith.index_cast %scan3A_96 : i32 to index
      %swap3A_168 = arith.constant 48 : index
      %swap3A_169 = tpu.vector_load %arg10[%swap3A_167, %swap3A_168] {strides = array<i32>} : memref<32x64xf32, #tpu.memory_space<vmem>>, vector<16xf32>,
      tpu.vector_store %arg10[%swap3A_167, %swap3A_168], %bitcast3A_163 {strides = array<i32>} : memref<32x64xf32, #tpu.memory_space<vmem>>, vector<16xf32>,
      %add3A_170 = arith.addf %scan3A_100, %bitcast3A_161 : vector<16xf32>
      %add3A_171 = arith.addf %scan3A_104, %bitcast3A_163 : vector<16xf32>
      scf.yield %add3A_116, %add3A_134, %add3A_152, %add3A_170, %add3A_117, %add3A_135, %add3A_153, %add3A_171 : vector<16xf32>, vector<16xf32>, vector<16xf32>, vector<16xf32>, vector<16xf32>, vector<16xf32>, vector<16xf32>, vector<16xf32>
    }
    %scan3A_22 = arith.constant 32 : i32
    %dma_start3A_23 = arith.constant 0 : i32
    %dma_start3A_24 = arith.constant 0 : i32
    %dma_start3A_25 = tpu.memref_slice %arg4[%add3A, %dma_start3A_23, %dma_start3A_24] : memref<32x32x64xf32, #tpu.memory_space<hbm>> -> memref<1x32x64xf32, #tpu.memory_space<hbm>>
    %dma_start3A_26 = tpu.memref_squeeze %dma_start3A_25 : memref<1x32x64xf32, #tpu.memory_space<hbm>> -> memref<32x64xf32, #tpu.memory_space<hbm>>
    %dma_start3A_27 = arith.constant 0 : i32
    %dma_start3A_28 = arith.constant 0 : i32
    %dma_start3A_29 = tpu.memref_slice %arg4[%add3A, %dma_start3A_27, %dma_start3A_28] : memref<32x32x64xf32, #tpu.memory_space<hbm>> -> memref<1x32x64xf32, #tpu.memory_space<hbm>>
    %dma_start3A_30 = tpu.memref_squeeze %dma_start3A_29 : memref<1x32x64xf32, #tpu.memory_space<hbm>> -> memref<32x64xf32, #tpu.memory_space<hbm>>
    tpu.enqueue_dma source(%arg9 : memref<32x64xf32, #tpu.memory_space<vmem>>) target(%dma_start3A_30 : memref<32x64xf32, #tpu.memory_space<hbm>>) target_semaphore(%arg15 : memref<!tpu.dma_semaphore, #tpu.memory_space<semaphore_mem>>)
    %dma_start3A_31 = arith.constant 0 : i32
    %dma_start3A_32 = arith.constant 0 : i32
    %dma_start3A_33 = tpu.memref_slice %arg5[%add3A, %dma_start3A_31, %dma_start3A_32] : memref<32x32x64xf32, #tpu.memory_space<hbm>> -> memref<1x32x64xf32, #tpu.memory_space<hbm>>
    %dma_start3A_34 = tpu.memref_squeeze %dma_start3A_33 : memref<1x32x64xf32, #tpu.memory_space<hbm>> -> memref<32x64xf32, #tpu.memory_space<hbm>>
    %dma_start3A_35 = arith.constant 0 : i32
    %dma_start3A_36 = arith.constant 0 : i32
    %dma_start3A_37 = tpu.memref_slice %arg5[%add3A, %dma_start3A_35, %dma_start3A_36] : memref<32x32x64xf32, #tpu.memory_space<hbm>> -> memref<1x32x64xf32, #tpu.memory_space<hbm>>
    %dma_start3A_38 = tpu.memref_squeeze %dma_start3A_37 : memref<1x32x64xf32, #tpu.memory_space<hbm>> -> memref<32x64xf32, #tpu.memory_space<hbm>>
    tpu.enqueue_dma source(%arg10 : memref<32x64xf32, #tpu.memory_space<vmem>>) target(%dma_start3A_38 : memref<32x64xf32, #tpu.memory_space<hbm>>) target_semaphore(%arg16 : memref<!tpu.dma_semaphore, #tpu.memory_space<semaphore_mem>>)
    %mul3A_39 = arith.constant 9.765625E-4 : f32
    %mul3A_40 = vector.broadcast %mul3A_39 : f32 to vector<16xf32>
    %mul3A_41 = arith.mulf %scan3A_21#0, %mul3A_40 : vector<16xf32>
    %swap3A = arith.constant 0 : index
    %swap3A_42 = tpu.vector_load %arg11[%swap3A] {strides = array<i32>} : memref<128xf32, #tpu.memory_space<vmem>>, vector<16xf32>,
    tpu.vector_store %arg11[%swap3A], %mul3A_41 {strides = array<i32>} : memref<128xf32, #tpu.memory_space<vmem>>, vector<16xf32>,
    %mul3A_43 = arith.constant 9.765625E-4 : f32
    %mul3A_44 = vector.broadcast %mul3A_43 : f32 to vector<16xf32>
    %mul3A_45 = arith.mulf %scan3A_21#1, %mul3A_44 : vector<16xf32>
    %swap3A_46 = arith.constant 16 : index
    %swap3A_47 = tpu.vector_load %arg11[%swap3A_46] {strides = array<i32>} : memref<128xf32, #tpu.memory_space<vmem>>, vector<16xf32>,
    tpu.vector_store %arg11[%swap3A_46], %mul3A_45 {strides = array<i32>} : memref<128xf32, #tpu.memory_space<vmem>>, vector<16xf32>,
    %mul3A_48 = arith.constant 9.765625E-4 : f32
    %mul3A_49 = vector.broadcast %mul3A_48 : f32 to vector<16xf32>
    %mul3A_50 = arith.mulf %scan3A_21#2, %mul3A_49 : vector<16xf32>
    %swap3A_51 = arith.constant 32 : index
    %swap3A_52 = tpu.vector_load %arg11[%swap3A_51] {strides = array<i32>} : memref<128xf32, #tpu.memory_space<vmem>>, vector<16xf32>,
    tpu.vector_store %arg11[%swap3A_51], %mul3A_50 {strides = array<i32>} : memref<128xf32, #tpu.memory_space<vmem>>, vector<16xf32>,
    %mul3A_53 = arith.constant 9.765625E-4 : f32
    %mul3A_54 = vector.broadcast %mul3A_53 : f32 to vector<16xf32>
    %mul3A_55 = arith.mulf %scan3A_21#3, %mul3A_54 : vector<16xf32>
    %swap3A_56 = arith.constant 48 : index
    %swap3A_57 = tpu.vector_load %arg11[%swap3A_56] {strides = array<i32>} : memref<128xf32, #tpu.memory_space<vmem>>, vector<16xf32>,
    tpu.vector_store %arg11[%swap3A_56], %mul3A_55 {strides = array<i32>} : memref<128xf32, #tpu.memory_space<vmem>>, vector<16xf32>,
    %mul3A_58 = arith.constant 9.765625E-4 : f32
    %mul3A_59 = vector.broadcast %mul3A_58 : f32 to vector<16xf32>
    %mul3A_60 = arith.mulf %scan3A_21#4, %mul3A_59 : vector<16xf32>
    %swap3A_61 = arith.constant 64 : index
    %swap3A_62 = tpu.vector_load %arg11[%swap3A_61] {strides = array<i32>} : memref<128xf32, #tpu.memory_space<vmem>>, vector<16xf32>,
    tpu.vector_store %arg11[%swap3A_61], %mul3A_60 {strides = array<i32>} : memref<128xf32, #tpu.memory_space<vmem>>, vector<16xf32>,
    %mul3A_63 = arith.constant 9.765625E-4 : f32
    %mul3A_64 = vector.broadcast %mul3A_63 : f32 to vector<16xf32>
    %mul3A_65 = arith.mulf %scan3A_21#5, %mul3A_64 : vector<16xf32>
    %swap3A_66 = arith.constant 80 : index
    %swap3A_67 = tpu.vector_load %arg11[%swap3A_66] {strides = array<i32>} : memref<128xf32, #tpu.memory_space<vmem>>, vector<16xf32>,
    tpu.vector_store %arg11[%swap3A_66], %mul3A_65 {strides = array<i32>} : memref<128xf32, #tpu.memory_space<vmem>>, vector<16xf32>,
    %mul3A_68 = arith.constant 9.765625E-4 : f32
    %mul3A_69 = vector.broadcast %mul3A_68 : f32 to vector<16xf32>
    %mul3A_70 = arith.mulf %scan3A_21#6, %mul3A_69 : vector<16xf32>
    %swap3A_71 = arith.constant 96 : index
    %swap3A_72 = tpu.vector_load %arg11[%swap3A_71] {strides = array<i32>} : memref<128xf32, #tpu.memory_space<vmem>>, vector<16xf32>,
    tpu.vector_store %arg11[%swap3A_71], %mul3A_70 {strides = array<i32>} : memref<128xf32, #tpu.memory_space<vmem>>, vector<16xf32>,
    %mul3A_73 = arith.constant 9.765625E-4 : f32
    %mul3A_74 = vector.broadcast %mul3A_73 : f32 to vector<16xf32>
    %mul3A_75 = arith.mulf %scan3A_21#7, %mul3A_74 : vector<16xf32>
    %swap3A_76 = arith.constant 112 : index
    %swap3A_77 = tpu.vector_load %arg11[%swap3A_76] {strides = array<i32>} : memref<128xf32, #tpu.memory_space<vmem>>, vector<16xf32>,
    tpu.vector_store %arg11[%swap3A_76], %mul3A_75 {strides = array<i32>} : memref<128xf32, #tpu.memory_space<vmem>>, vector<16xf32>,
    "tpu.region"() ({
      %run_scoped3A = tpu.sem_alloc : memref<!tpu.dma_semaphore, #tpu.memory_space<semaphore_mem>>
      %dma_start3A_96 = arith.constant 0 : i32
      %dma_start3A_97 = tpu.memref_slice %arg14[%arg1, %dma_start3A_96] : memref<16x128xf32, #tpu.memory_space<vmem_shared>> -> memref<1x128xf32, #tpu.memory_space<vmem_shared>>
      %dma_start3A_98 = tpu.memref_squeeze %dma_start3A_97 : memref<1x128xf32, #tpu.memory_space<vmem_shared>> -> memref<128xf32, #tpu.memory_space<vmem_shared>>
      %dma_start3A_99 = arith.constant 0 : i32
      %dma_start3A_100 = tpu.memref_slice %arg14[%arg1, %dma_start3A_99] : memref<16x128xf32, #tpu.memory_space<vmem_shared>> -> memref<1x128xf32, #tpu.memory_space<vmem_shared>>
      %dma_start3A_101 = tpu.memref_squeeze %dma_start3A_100 : memref<1x128xf32, #tpu.memory_space<vmem_shared>> -> memref<128xf32, #tpu.memory_space<vmem_shared>>
      tpu.enqueue_dma source(%arg11 : memref<128xf32, #tpu.memory_space<vmem>>) target(%dma_start3A_101 : memref<128xf32, #tpu.memory_space<vmem_shared>>) target_semaphore(%run_scoped3A : memref<!tpu.dma_semaphore, #tpu.memory_space<semaphore_mem>>)
      %dma_wait3A_102 = arith.constant 0 : i32
      %dma_wait3A_103 = tpu.memref_slice %arg14[%arg1, %dma_wait3A_102] : memref<16x128xf32, #tpu.memory_space<vmem_shared>> -> memref<1x128xf32, #tpu.memory_space<vmem_shared>>
      %dma_wait3A_104 = tpu.memref_squeeze %dma_wait3A_103 : memref<1x128xf32, #tpu.memory_space<vmem_shared>> -> memref<128xf32, #tpu.memory_space<vmem_shared>>
      %dma_wait3A_105 = arith.constant 0 : i32
      %dma_wait3A_106 = tpu.memref_slice %arg14[%arg1, %dma_wait3A_105] : memref<16x128xf32, #tpu.memory_space<vmem_shared>> -> memref<1x128xf32, #tpu.memory_space<vmem_shared>>
      %dma_wait3A_107 = tpu.memref_squeeze %dma_wait3A_106 : memref<1x128xf32, #tpu.memory_space<vmem_shared>> -> memref<128xf32, #tpu.memory_space<vmem_shared>>
      tpu.wait_dma2 semaphore(%run_scoped3A : memref<!tpu.dma_semaphore, #tpu.memory_space<semaphore_mem>>) src(%arg11 : memref<128xf32, #tpu.memory_space<vmem>>) dst(%dma_wait3A_107 : memref<128xf32, #tpu.memory_space<vmem_shared>>)
      tpu.yield
    }) : () -> ()
    %barrier3A = arith.constant 0 : index
    tpu.barrier barrier_id(%barrier3A)
    %lt3A = arith.constant 8 : i32
    %lt3A_78 = arith.cmpi slt, %arg1, %lt3A : i32
    %convert_element_type3A = arith.extui %lt3A_78 : i1 to i32
    %cond3A = arith.constant 0 : i32
    %cond3A_79 = arith.cmpi ne, %convert_element_type3A, %cond3A : i32
    scf.if %cond3A_79 {
      "tpu.region"() ({
        %run_scoped3A = tpu.sem_alloc : memref<!tpu.dma_semaphore, #tpu.memory_space<semaphore_mem>>
        tpu.enqueue_dma source(%arg14 : memref<16x128xf32, #tpu.memory_space<vmem_shared>>) target(%arg12 : memref<16x128xf32, #tpu.memory_space<vmem>>) target_semaphore(%run_scoped3A : memref<!tpu.dma_semaphore, #tpu.memory_space<semaphore_mem>>)
        tpu.wait_dma2 semaphore(%run_scoped3A : memref<!tpu.dma_semaphore, #tpu.memory_space<semaphore_mem>>) src(%arg14 : memref<16x128xf32, #tpu.memory_space<vmem_shared>>) dst(%arg12 : memref<16x128xf32, #tpu.memory_space<vmem>>)
        tpu.yield
      }) : () -> ()
      %mul3A_96 = arith.constant 16 : i32
      %mul3A_97 = arith.muli %arg1, %mul3A_96 : i32
      %get3A = arith.constant 0 : i32
      %get3A_98 = arith.index_cast %get3A : i32 to index
      %get3A_99 = arith.index_cast %mul3A_97 : i32 to index
      %get3A_100 = tpu.vector_load %arg12[%get3A_98, %get3A_99] {strides = array<i32>} : memref<16x128xf32, #tpu.memory_space<vmem>>, vector<16xf32>,
      %get3A_101 = arith.constant 1 : i32
      %get3A_102 = arith.index_cast %get3A_101 : i32 to index
      %get3A_103 = arith.index_cast %mul3A_97 : i32 to index
      %get3A_104 = tpu.vector_load %arg12[%get3A_102, %get3A_103] {strides = array<i32>} : memref<16x128xf32, #tpu.memory_space<vmem>>, vector<16xf32>,
      %add3A_105 = arith.addf %get3A_100, %get3A_104 : vector<16xf32>
      %get3A_106 = arith.constant 2 : i32
      %get3A_107 = arith.index_cast %get3A_106 : i32 to index
      %get3A_108 = arith.index_cast %mul3A_97 : i32 to index
      %get3A_109 = tpu.vector_load %arg12[%get3A_107, %get3A_108] {strides = array<i32>} : memref<16x128xf32, #tpu.memory_space<vmem>>, vector<16xf32>,
      %add3A_110 = arith.addf %add3A_105, %get3A_109 : vector<16xf32>
      %get3A_111 = arith.constant 3 : i32
      %get3A_112 = arith.index_cast %get3A_111 : i32 to index
      %get3A_113 = arith.index_cast %mul3A_97 : i32 to index
      %get3A_114 = tpu.vector_load %arg12[%get3A_112, %get3A_113] {strides = array<i32>} : memref<16x128xf32, #tpu.memory_space<vmem>>, vector<16xf32>,
      %add3A_115 = arith.addf %add3A_110, %get3A_114 : vector<16xf32>
      %get3A_116 = arith.constant 4 : i32
      %get3A_117 = arith.index_cast %get3A_116 : i32 to index
      %get3A_118 = arith.index_cast %mul3A_97 : i32 to index
      %get3A_119 = tpu.vector_load %arg12[%get3A_117, %get3A_118] {strides = array<i32>} : memref<16x128xf32, #tpu.memory_space<vmem>>, vector<16xf32>,
      %add3A_120 = arith.addf %add3A_115, %get3A_119 : vector<16xf32>
      %get3A_121 = arith.constant 5 : i32
      %get3A_122 = arith.index_cast %get3A_121 : i32 to index
      %get3A_123 = arith.index_cast %mul3A_97 : i32 to index
      %get3A_124 = tpu.vector_load %arg12[%get3A_122, %get3A_123] {strides = array<i32>} : memref<16x128xf32, #tpu.memory_space<vmem>>, vector<16xf32>,
      %add3A_125 = arith.addf %add3A_120, %get3A_124 : vector<16xf32>
      %get3A_126 = arith.constant 6 : i32
      %get3A_127 = arith.index_cast %get3A_126 : i32 to index
      %get3A_128 = arith.index_cast %mul3A_97 : i32 to index
      %get3A_129 = tpu.vector_load %arg12[%get3A_127, %get3A_128] {strides = array<i32>} : memref<16x128xf32, #tpu.memory_space<vmem>>, vector<16xf32>,
      %add3A_130 = arith.addf %add3A_125, %get3A_129 : vector<16xf32>
      %get3A_131 = arith.constant 7 : i32
      %get3A_132 = arith.index_cast %get3A_131 : i32 to index
      %get3A_133 = arith.index_cast %mul3A_97 : i32 to index
      %get3A_134 = tpu.vector_load %arg12[%get3A_132, %get3A_133] {strides = array<i32>} : memref<16x128xf32, #tpu.memory_space<vmem>>, vector<16xf32>,
      %add3A_135 = arith.addf %add3A_130, %get3A_134 : vector<16xf32>
      %get3A_136 = arith.constant 8 : i32
      %get3A_137 = arith.index_cast %get3A_136 : i32 to index
      %get3A_138 = arith.index_cast %mul3A_97 : i32 to index
      %get3A_139 = tpu.vector_load %arg12[%get3A_137, %get3A_138] {strides = array<i32>} : memref<16x128xf32, #tpu.memory_space<vmem>>, vector<16xf32>,
      %add3A_140 = arith.addf %add3A_135, %get3A_139 : vector<16xf32>
      %get3A_141 = arith.constant 9 : i32
      %get3A_142 = arith.index_cast %get3A_141 : i32 to index
      %get3A_143 = arith.index_cast %mul3A_97 : i32 to index
      %get3A_144 = tpu.vector_load %arg12[%get3A_142, %get3A_143] {strides = array<i32>} : memref<16x128xf32, #tpu.memory_space<vmem>>, vector<16xf32>,
      %add3A_145 = arith.addf %add3A_140, %get3A_144 : vector<16xf32>
      %get3A_146 = arith.constant 10 : i32
      %get3A_147 = arith.index_cast %get3A_146 : i32 to index
      %get3A_148 = arith.index_cast %mul3A_97 : i32 to index
      %get3A_149 = tpu.vector_load %arg12[%get3A_147, %get3A_148] {strides = array<i32>} : memref<16x128xf32, #tpu.memory_space<vmem>>, vector<16xf32>,
      %add3A_150 = arith.addf %add3A_145, %get3A_149 : vector<16xf32>
      %get3A_151 = arith.constant 11 : i32
      %get3A_152 = arith.index_cast %get3A_151 : i32 to index
      %get3A_153 = arith.index_cast %mul3A_97 : i32 to index
      %get3A_154 = tpu.vector_load %arg12[%get3A_152, %get3A_153] {strides = array<i32>} : memref<16x128xf32, #tpu.memory_space<vmem>>, vector<16xf32>,
      %add3A_155 = arith.addf %add3A_150, %get3A_154 : vector<16xf32>
      %get3A_156 = arith.constant 12 : i32
      %get3A_157 = arith.index_cast %get3A_156 : i32 to index
      %get3A_158 = arith.index_cast %mul3A_97 : i32 to index
      %get3A_159 = tpu.vector_load %arg12[%get3A_157, %get3A_158] {strides = array<i32>} : memref<16x128xf32, #tpu.memory_space<vmem>>, vector<16xf32>,
      %add3A_160 = arith.addf %add3A_155, %get3A_159 : vector<16xf32>
      %get3A_161 = arith.constant 13 : i32
      %get3A_162 = arith.index_cast %get3A_161 : i32 to index
      %get3A_163 = arith.index_cast %mul3A_97 : i32 to index
      %get3A_164 = tpu.vector_load %arg12[%get3A_162, %get3A_163] {strides = array<i32>} : memref<16x128xf32, #tpu.memory_space<vmem>>, vector<16xf32>,
      %add3A_165 = arith.addf %add3A_160, %get3A_164 : vector<16xf32>
      %get3A_166 = arith.constant 14 : i32
      %get3A_167 = arith.index_cast %get3A_166 : i32 to index
      %get3A_168 = arith.index_cast %mul3A_97 : i32 to index
      %get3A_169 = tpu.vector_load %arg12[%get3A_167, %get3A_168] {strides = array<i32>} : memref<16x128xf32, #tpu.memory_space<vmem>>, vector<16xf32>,
      %add3A_170 = arith.addf %add3A_165, %get3A_169 : vector<16xf32>
      %get3A_171 = arith.constant 15 : i32
      %get3A_172 = arith.index_cast %get3A_171 : i32 to index
      %get3A_173 = arith.index_cast %mul3A_97 : i32 to index
      %get3A_174 = tpu.vector_load %arg12[%get3A_172, %get3A_173] {strides = array<i32>} : memref<16x128xf32, #tpu.memory_space<vmem>>, vector<16xf32>,
      %add3A_175 = arith.addf %add3A_170, %get3A_174 : vector<16xf32>
      %swap3A_176 = arith.constant 0 : index
      %swap3A_177 = tpu.vector_load %arg13[%swap3A_176] {strides = array<i32>} : memref<128xf32, #tpu.memory_space<vmem>>, vector<16xf32>,
      tpu.vector_store %arg13[%swap3A_176], %add3A_175 {strides = array<i32>} : memref<128xf32, #tpu.memory_space<vmem>>, vector<16xf32>,
      %mul3A_178 = arith.constant 2 : i32
      %mul3A_179 = arith.muli %arg0, %mul3A_178 : i32
      %mul3A_180 = arith.constant 64 : i32
      %mul3A_181 = arith.muli %mul3A_179, %mul3A_180 : i32
      %add3A_182 = arith.addi %mul3A_181, %mul3A_97 : i32
      "tpu.region"() ({
        %run_scoped3A = tpu.sem_alloc : memref<!tpu.dma_semaphore, #tpu.memory_space<semaphore_mem>>
        %dma_start3A_183 = arith.constant 0 : i32
        %dma_start3A_184 = tpu.memref_slice %arg13[%dma_start3A_183] : memref<128xf32, #tpu.memory_space<vmem>> -> memref<16xf32, #tpu.memory_space<vmem>>
        %dma_start3A_185 = tpu.memref_slice %arg6[%add3A_182] : memref<256xf32, #tpu.memory_space<hbm>> -> memref<16xf32, #tpu.memory_space<hbm>>
        %dma_start3A_186 = tpu.memref_slice %arg6[%add3A_182] : memref<256xf32, #tpu.memory_space<hbm>> -> memref<16xf32, #tpu.memory_space<hbm>>
        %dma_start3A_187 = arith.constant 0 : i32
        %dma_start3A_188 = tpu.memref_slice %arg13[%dma_start3A_187] : memref<128xf32, #tpu.memory_space<vmem>> -> memref<16xf32, #tpu.memory_space<vmem>>
        tpu.enqueue_dma source(%dma_start3A_188 : memref<16xf32, #tpu.memory_space<vmem>>) target(%dma_start3A_186 : memref<16xf32, #tpu.memory_space<hbm>>) target_semaphore(%run_scoped3A : memref<!tpu.dma_semaphore, #tpu.memory_space<semaphore_mem>>)
        %dma_wait3A_189 = arith.constant 0 : i32
        %dma_wait3A_190 = tpu.memref_slice %arg13[%dma_wait3A_189] : memref<128xf32, #tpu.memory_space<vmem>> -> memref<16xf32, #tpu.memory_space<vmem>>
        %dma_wait3A_191 = tpu.memref_slice %arg6[%add3A_182] : memref<256xf32, #tpu.memory_space<hbm>> -> memref<16xf32, #tpu.memory_space<hbm>>
        %dma_wait3A_192 = tpu.memref_slice %arg6[%add3A_182] : memref<256xf32, #tpu.memory_space<hbm>> -> memref<16xf32, #tpu.memory_space<hbm>>
        %dma_wait3A_193 = arith.constant 0 : i32
        %dma_wait3A_194 = tpu.memref_slice %arg13[%dma_wait3A_193] : memref<128xf32, #tpu.memory_space<vmem>> -> memref<16xf32, #tpu.memory_space<vmem>>
        tpu.wait_dma2 semaphore(%run_scoped3A : memref<!tpu.dma_semaphore, #tpu.memory_space<semaphore_mem>>) src(%dma_wait3A_194 : memref<16xf32, #tpu.memory_space<vmem>>) dst(%dma_wait3A_192 : memref<16xf32, #tpu.memory_space<hbm>>)
        tpu.yield
      }) : () -> ()
    } else {
    }
    %dma_wait3A_80 = arith.constant 0 : i32
    %dma_wait3A_81 = arith.constant 0 : i32
    %dma_wait3A_82 = tpu.memref_slice %arg4[%add3A, %dma_wait3A_80, %dma_wait3A_81] : memref<32x32x64xf32, #tpu.memory_space<hbm>> -> memref<1x32x64xf32, #tpu.memory_space<hbm>>
    %dma_wait3A_83 = tpu.memref_squeeze %dma_wait3A_82 : memref<1x32x64xf32, #tpu.memory_space<hbm>> -> memref<32x64xf32, #tpu.memory_space<hbm>>
    %dma_wait3A_84 = arith.constant 0 : i32
    %dma_wait3A_85 = arith.constant 0 : i32
    %dma_wait3A_86 = tpu.memref_slice %arg4[%add3A, %dma_wait3A_84, %dma_wait3A_85] : memref<32x32x64xf32, #tpu.memory_space<hbm>> -> memref<1x32x64xf32, #tpu.memory_space<hbm>>
    %dma_wait3A_87 = tpu.memref_squeeze %dma_wait3A_86 : memref<1x32x64xf32, #tpu.memory_space<hbm>> -> memref<32x64xf32, #tpu.memory_space<hbm>>
    tpu.wait_dma2 semaphore(%arg15 : memref<!tpu.dma_semaphore, #tpu.memory_space<semaphore_mem>>) src(%arg9 : memref<32x64xf32, #tpu.memory_space<vmem>>) dst(%dma_wait3A_87 : memref<32x64xf32, #tpu.memory_space<hbm>>)
    %dma_wait3A_88 = arith.constant 0 : i32
    %dma_wait3A_89 = arith.constant 0 : i32
    %dma_wait3A_90 = tpu.memref_slice %arg5[%add3A, %dma_wait3A_88, %dma_wait3A_89] : memref<32x32x64xf32, #tpu.memory_space<hbm>> -> memref<1x32x64xf32, #tpu.memory_space<hbm>>
    %dma_wait3A_91 = tpu.memref_squeeze %dma_wait3A_90 : memref<1x32x64xf32, #tpu.memory_space<hbm>> -> memref<32x64xf32, #tpu.memory_space<hbm>>
    %dma_wait3A_92 = arith.constant 0 : i32
    %dma_wait3A_93 = arith.constant 0 : i32
    %dma_wait3A_94 = tpu.memref_slice %arg5[%add3A, %dma_wait3A_92, %dma_wait3A_93] : memref<32x32x64xf32, #tpu.memory_space<hbm>> -> memref<1x32x64xf32, #tpu.memory_space<hbm>>
    %dma_wait3A_95 = tpu.memref_squeeze %dma_wait3A_94 : memref<1x32x64xf32, #tpu.memory_space<hbm>> -> memref<32x64xf32, #tpu.memory_space<hbm>>
    tpu.wait_dma2 semaphore(%arg16 : memref<!tpu.dma_semaphore, #tpu.memory_space<semaphore_mem>>) src(%arg10 : memref<32x64xf32, #tpu.memory_space<vmem>>) dst(%dma_wait3A_95 : memref<32x64xf32, #tpu.memory_space<hbm>>)
    return
  }
}

module attributes {stable_mosaic.version = 14 : i64} {
  func.func @_table_body(%arg0: memref<64x8192xf32, #tpu.memory_space<vmem>>, %arg1: memref<2x64xf32, #tpu.memory_space<vmem>>, %arg2: memref<2xf32, #tpu.memory_space<smem>>, %arg3: memref<8192xi32, #tpu.memory_space<vmem>>) attributes {dimension_semantics = [], scalar_prefetch = 0 : i64, scratch_operands = 0 : i64, tpu.core_type = #tpu.core_type<tc>} {
    %get3A = arith.constant 0 : index
    %get3A_0 = arith.constant 0 : index
    %get3A_1 = vector.load %arg1[%get3A, %get3A_0] : memref<2x64xf32, #tpu.memory_space<vmem>>, vector<2x64xf32>
    %get3A_2 = arith.constant 0 : index
    %get3A_3 = arith.constant 0 : index
    %get3A_4 = vector.load %arg0[%get3A_2, %get3A_3] : memref<64x8192xf32, #tpu.memory_space<vmem>>, vector<64x8192xf32>
    %dot_general3A = arith.constant dense<0.000000e+00> : vector<2x8192xf32>
    %dot_general3A_5 = tpu.matmul %get3A_1, %get3A_4, %dot_general3A {dimension_numbers = #tpu.dot_dimension_numbers<[1], [0], [0], [1], [0, 0, 1, 1], [], []>, transpose_lhs_hint = false} : vector<2x64xf32>, vector<64x8192xf32>, vector<2x8192xf32> -> vector<2x8192xf32>
    %slice3A = vector.extract_strided_slice %dot_general3A_5 {offsets = [0, 0], sizes = [1, 8192], strides = [1, 1]} : vector<2x8192xf32> to vector<1x8192xf32>
    %get3A_6 = arith.constant 0 : index
    %get3A_7 = memref.load %arg2[%get3A_6] : memref<2xf32, #tpu.memory_space<smem>>
    %add3A = vector.broadcast %get3A_7 : f32 to vector<1x8192xf32>
    %add3A_8 = arith.addf %slice3A, %add3A : vector<1x8192xf32>
    %logistic3A = arith.negf %add3A_8 : vector<1x8192xf32>
    %logistic3A_9 = math.exp %logistic3A : vector<1x8192xf32>
    %logistic3A_10 = arith.constant 1.000000e+00 : f32
    %logistic3A_11 = vector.broadcast %logistic3A_10 : f32 to vector<1x8192xf32>
    %logistic3A_12 = arith.addf %logistic3A_11, %logistic3A_9 : vector<1x8192xf32>
    %logistic3A_13 = arith.divf %logistic3A_11, %logistic3A_12 : vector<1x8192xf32>
    %slice3A_14 = vector.extract_strided_slice %dot_general3A_5 {offsets = [1, 0], sizes = [1, 8192], strides = [1, 1]} : vector<2x8192xf32> to vector<1x8192xf32>
    %get3A_15 = arith.constant 1 : index
    %get3A_16 = memref.load %arg2[%get3A_15] : memref<2xf32, #tpu.memory_space<smem>>
    %add3A_17 = vector.broadcast %get3A_16 : f32 to vector<1x8192xf32>
    %add3A_18 = arith.addf %slice3A_14, %add3A_17 : vector<1x8192xf32>
    %logistic3A_19 = arith.negf %add3A_18 : vector<1x8192xf32>
    %logistic3A_20 = math.exp %logistic3A_19 : vector<1x8192xf32>
    %logistic3A_21 = arith.constant 1.000000e+00 : f32
    %logistic3A_22 = vector.broadcast %logistic3A_21 : f32 to vector<1x8192xf32>
    %logistic3A_23 = arith.addf %logistic3A_22, %logistic3A_20 : vector<1x8192xf32>
    %logistic3A_24 = arith.divf %logistic3A_22, %logistic3A_23 : vector<1x8192xf32>
    %convert_element_type3A = arith.truncf %logistic3A_13 : vector<1x8192xf32> to vector<1x8192xbf16>
    %bitcast_convert_type3A = tpu.bitcast %convert_element_type3A : vector<1x8192xbf16> -> vector<1x8192xi16>
    %convert_element_type3A_25 = arith.extui %bitcast_convert_type3A : vector<1x8192xi16> to vector<1x8192xi32>
    %convert_element_type3A_26 = arith.truncf %logistic3A_24 : vector<1x8192xf32> to vector<1x8192xbf16>
    %bitcast_convert_type3A_27 = tpu.bitcast %convert_element_type3A_26 : vector<1x8192xbf16> -> vector<1x8192xi16>
    %convert_element_type3A_28 = arith.extui %bitcast_convert_type3A_27 : vector<1x8192xi16> to vector<1x8192xi32>
    %shift_left3A = arith.constant 16 : i32
    %shift_left3A_29 = vector.broadcast %shift_left3A : i32 to vector<1x8192xi32>
    %shift_left3A_30 = arith.shli %convert_element_type3A_28, %shift_left3A_29 : vector<1x8192xi32>
    %or3A = arith.ori %convert_element_type3A_25, %shift_left3A_30 : vector<1x8192xi32>
    %bitcast_convert_type3A_31 = tpu.bitcast %or3A : vector<1x8192xi32> -> vector<1x8192xi32>
    %reshape3A = vector.shape_cast %bitcast_convert_type3A_31 : vector<1x8192xi32> to vector<8192xi32>
    %swap3A = arith.constant 0 : index
    %swap3A_32 = vector.load %arg3[%swap3A] : memref<8192xi32, #tpu.memory_space<vmem>>, vector<8192xi32>
    tpu.vector_store %arg3[%swap3A], %reshape3A {strides = array<i32>} : memref<8192xi32, #tpu.memory_space<vmem>>, vector<8192xi32>,
    return
  }
}

</mosaic_0001>

<sc_bundles>
// kernel: kernel.4.cloned.1.call-start
scs
__scs_entry_jumppad:
0x0: {  	(pc) =	sbr.rel $0x88, $3  }
0x1: {  	(tag) =	ssettag $0x0;
	lr =	simm.s32 $0x1  }
0x2: {  	[smem:$0x3F9D] =	sst lr;
	_ =	strace $0xD0000000  }
0x3: {  	_ = 	snop  }
0x4: {  	_ = 	snop  }
0x5: {  	_ = 	snop  }
0x6: {  	_ = 	snop  }
0x7: {  	_ = 	snop  }
__scs_overlays_trampoline_lowered:
0x8: {  	[smem:$0x3FAC] =	sst s0  }
0x9: {  	[smem:$0x3FAD] =	sst s1  }
0xa: {  	[smem:$0x3FAE] =	sst s2  }
0xb: {  	[smem:$0x3FAF] =	sst s3  }
0xc: {  	[smem:$0x3FB0] =	sst s4  }
0xd: {  	[smem:$0x3FB1] =	sst s5  }
0xe: {  	[smem:$0x3FB2] =	sst s6  }
0xf: {  	[smem:$0x3FB3] =	sst s7  }
0x10: {  	[smem:$0x3FB4] =	sst s8  }
0x11: {  	[smem:$0x3FB5] =	sst s9;
	s0 =	simm.s32 @!p0 $0x0  }
0x12: {  	s1 =	sld [smem:$0x3F9B];
	s0 =	simm.s32 @p0 $0x1  }
0x13: {  	[smem:$0x3FB6] =	sst s0;
	s0 =	simm.s32 @!p1 $0x0  }
0x14: {  	s2 =	sld [smem:$0x3F9A];
	s0 =	simm.s32 @p1 $0x1  }
0x15: {  	[smem:$0x3FB7] =	sst s0;
	s0 =	simm.s32 @!p2 $0x0  }
0x16: {  	s3 =	sld [smem:$0x3FDB];
	s0 =	simm.s32 @p2 $0x1  }
0x17: {  	s4 =	simm.s32 $0x1BF5;
	[smem:$0x3FB9] =	sst s0  }
0x18: {  	s0 =	sld [smem:$0x3F9C];
	_ =	swait.ge [sflag:s4], $0x0  }
0x19: {  	s7 =	sld [smem:$0x3F9D]  }
0x1a: {  	s8 =	sadd.s32 $0xFFFFE003, lr  }
0x1b: {  	s9 =	sadd.s32 $0xFFFFFEF7, lr;
	s5 =	simm.s32 $0xFFFFFFFF;
	p2 =	slt.u32 s8, $0xFFFFF086  }
0x1c: {  	p1 =	slt.u32 s9, $0xF7A;
	s5 =	simm.s32 @!p2 $0x0  }
0x1d: {  	s5 =	simm.s32 @p1 $0x1;
	p0 =	seq.s32 s7, s2  }
0x1e: {  	s7 =	smul.u32 @!p0 $0xF7A, s2;
	p2 =	seq.s32 @!p0 s5, $0x0  }
0x1f: {  	s9 =	smul.u32 $0xF7A, s1;
	s8 =	simm.s32 @!p0 $0x1BF5;
	p2 =	por !p2, p0  }
0x20: {  	[sflag:s8] =	ssyncset.s32 @!p0 $0xFFFFF086;
	s6 =	sadd.s32 @!p0 s3, s7;
	s7 =	simm.s32 @!p0 $0x108  }
0x21: {  	s3 =	sadd.s32 s3, s9;
	s6 =	sadd.s32 @!p0 $0x88, s6;
	s7 =	simm.s32 @p2 $0x1082  }
0x22: {  	[simem:s7], [sflag:s8] =	dma.local @!p0 [hbm:s6], $0xF7A  }
0x23: {  	s9 =	sor.u32 $0xD0000000, s2;
	s6 =	simm.s32 $0x108;
	_ =	swait.ge @!p0 [sflag:s8], $0x0  }
0x24: {  	s3 =	sadd.s32 $0x88, s3;
	s6 =	simm.s32 @!p1 $0x1082;
	[sflag:s4] =	ssyncset.s32 $0xFFFFF086  }
0x25: {  	[simem:s6], [sflag:s4] =	dma.local [hbm:s3], $0xF7A  }
0x26: {  	[smem:$0x3F9D] =	sst s1;
	(tag) =	ssettag s2;
	_ =	strace s9  }
0x27: {  	s1 =	sld [smem:$0x3FAD]  }
0x28: {  	s2 =	sld [smem:$0x3FAE]  }
0x29: {  	s4 =	sld [smem:$0x3FB0]  }
0x2a: {  	p0 =	seq.s32 s5, $0x0;
	s5 =	sld [smem:$0x3FB1]  }
0x2b: {  	s6 =	sld [smem:$0x3FB2]  }
0x2c: {  	s7 =	sld [smem:$0x3FB3]  }
0x2d: {  	s3 =	simm.s32 $0x108;
	s8 =	sld [smem:$0x3FB4]  }
0x2e: {  	s3 =	simm.s32 @!p0 $0x1082;
	s9 =	sld [smem:$0x3FB5]  }
0x2f: {  	lr =	sadd.s32 s0, s3;
	s0 =	sld [smem:$0x3FAC]  }
0x30: {  	s3 =	sld [smem:$0x3FAF]  }
0x31: {  	[smem:$0x3FB8] =	sst s10  }
0x32: {  	s10 =	sld [smem:$0x3FB6];
	_ =	sdelay $0x3  }
0x33: {  	p0 =	seq.s32 s10, $0x1;
	s10 =	sld [smem:$0x3FB8];
	_ =	sdelay $0x3  }
0x34: {  	[smem:$0x3FB8] =	sst s10  }
0x35: {  	s10 =	sld [smem:$0x3FB7];
	_ =	sdelay $0x3  }
0x36: {  	p1 =	seq.s32 s10, $0x1;
	s10 =	sld [smem:$0x3FB8];
	_ =	sdelay $0x3  }
0x37: {  	[smem:$0x3FB8] =	sst s10  }
0x38: {  	s10 =	sld [smem:$0x3FB9]  }
0x39: {  	_ = 	snop;
	(pc) =	sbr.ind lr, $3  }
0x3a: {  	_ = 	snop  }
0x3b: {  	_ = 	snop  }
0x3c: {  	p2 =	seq.s32 s10, $0x1;
	s10 =	sld [smem:$0x3FB8]  }
0x3d: {  	_ =	shalt  }
0x3e: {  	_ =	shalt  }
0x3f: {  	_ =	shalt  }
0x40: {  	_ =	shalt  }
0x41: {  	_ =	shalt  }
0x42: {  	_ =	shalt  }
0x43: {  	_ =	shalt  }
0x44: {  	_ =	shalt  }
0x45: {  	_ =	shalt  }
0x46: {  	_ =	shalt  }
0x47: {  	_ =	shalt  }
0x48: {  	_ =	shalt  }
0x49: {  	_ =	shalt  }
0x4a: {  	_ =	shalt  }
0x4b: {  	_ =	shalt  }
0x4c: {  	_ =	shalt  }
0x4d: {  	_ =	shalt  }
0x4e: {  	_ =	shalt  }
0x4f: {  	_ =	shalt  }
0x50: {  	_ =	shalt  }
0x51: {  	_ =	shalt  }
0x52: {  	_ =	shalt  }
0x53: {  	_ =	shalt  }
0x54: {  	_ =	shalt  }
0x55: {  	_ =	shalt  }
0x56: {  	_ =	shalt  }
0x57: {  	_ =	shalt  }
0x58: {  	_ =	shalt  }
0x59: {  	_ =	shalt  }
0x5a: {  	_ =	shalt  }
0x5b: {  	_ =	shalt  }
0x5c: {  	_ =	shalt  }
0x5d: {  	_ =	shalt  }
0x5e: {  	_ =	shalt  }
0x5f: {  	_ =	shalt  }
0x60: {  	_ =	shalt  }
0x61: {  	_ =	shalt  }
0x62: {  	_ =	shalt  }
0x63: {  	_ =	shalt  }
0x64: {  	_ =	shalt  }
0x65: {  	_ =	shalt  }
0x66: {  	_ =	shalt  }
0x67: {  	_ =	shalt  }
0x68: {  	_ =	shalt  }
0x69: {  	_ =	shalt  }
0x6a: {  	_ =	shalt  }
0x6b: {  	_ =	shalt  }
0x6c: {  	_ =	shalt  }
0x6d: {  	_ =	shalt  }
0x6e: {  	_ =	shalt  }
0x6f: {  	_ =	shalt  }
0x70: {  	_ =	shalt  }
0x71: {  	_ =	shalt  }
0x72: {  	_ =	shalt  }
0x73: {  	_ =	shalt  }
0x74: {  	_ =	shalt  }
0x75: {  	_ =	shalt  }
0x76: {  	_ =	shalt  }
0x77: {  	_ =	shalt  }
0x78: {  	_ =	shalt  }
0x79: {  	_ =	shalt  }
0x7a: {  	_ =	shalt  }
0x7b: {  	_ =	shalt  }
0x7c: {  	_ =	shalt  }
0x7d: {  	_ =	shalt  }
0x7e: {  	_ =	shalt  }
0x7f: {  	_ =	shalt  }
0x80: {  	_ =	shalt  }
0x81: {  	_ =	shalt  }
0x82: {  	_ =	shalt  }
0x83: {  	_ =	shalt  }
0x84: {  	_ =	shalt  }
0x85: {  	_ =	shalt  }
0x86: {  	_ =	shalt  }
0x87: {  	_ =	shalt  }
.Lfunc_end0:
.L_simem_size_0:
called_computation_lowered:
.L_overlay_start_0:
0x88: {  	s2 =	sld [smem:$0x3FD9]  }
0x89: {  	s3 =	sld [smem:$0x3FFE];
	_ =	sdelay $0x1  }
0x8a: {  	s1 =	srdreg.scid  }
0x8b: {  	s0 =	sand.u32 $0x1, s1  }
0x8c: {  	s14 =	sshll.u32 s0, $0xA;
	s2 =	sadd.s32 s3, s2  }
0x8d: {  	s2 =	sadd.s32 s2, s14  }
0x8e: {  	[smem:$0x3FC4] =	sst s2  }
0x8f: {  	_ = 	snop  }
0x90: {  	s2 =	sld [smem:$0x3FD0];
	_ =	sdelay $0x2  }
0x91: {  	s4 =	simm.s32 $0xA;
	s5 =	simm.s32 $0x10;
	s15 =	sld [smem:$0x3FC9]  }
0x92: {  	[smem:s5], [sflag:s4] =	dma.local [hbm:s2], $0x1  }
0x93: {  	_ =	swait.eq [sflag:s4], $0x1  }
0x94: {  	[sflag:s4] =	ssyncset.done $0x0  }
0x95: {  	s16 =	sld [smem:$0x10];
	[sflag:s4] =	ssyncadd.s32 $0xFFFFFFFF  }
0x96: {  	s17 =	sld [smem:$0x11];
	(tm) =	ssettm $0x1  }
0x97: {  	s18 =	sld [smem:$0x3FFB];
	_ =	sdelay $0x3  }
0x98: {  	_ =	strace s18  }
0x99: {  	s5 =	sld [smem:$0x3FFC];
	_ =	sdelay $0x3  }
0x9a: {  	_ =	strace s5  }
0x9b: {  	s5 =	sld [smem:$0x3FFD];
	_ =	sdelay $0x3  }
0x9c: {  	_ =	strace s5  }
0x9d: {  	_ =	strace $0x8FFFFFFF  }
0x9e: {  	s19 =	sld [smem:$0x3FDB];
	_ =	sdelay $0x1  }
0x9f: {  	s6 =	simm.s32 $_scs_section_size  }
0xa0: {  	s7 =	simm.s32 $_size__tile_overlayer_lowered;
	s8 =	simm.s32 $_tile_overlayer_lowered  }
0xa1: {  	s22 =	simm.s32 $0x1BFF;
	s21 =	sshll.u32 s8, $0x1;
	s5 =	sadd.s32 s6, s19  }
0xa2: {  	s9 =	simm.s32 $0x0;
	s20 =	sshll.u32 s7, $0x1;
	s7 =	sadd.s32 s21, s5  }
0xa3: {  	[timem:s9], [sflag:s22] =	dma.local [hbm:s7], s20  }
0xa4: {  	_ =	swait.ge [sflag:s22], s20  }
0xa5: {  	s6 =	ssub.s32 $0x0, s20;
	[sflag:s22] =	ssyncset.done $0x0  }
0xa6: {  	[sflag:s22] =	ssyncadd.s32 s6;
	_ =	sdelay $0x1  }
0xa7: {  	s23 =	simm.s32 $0x1B8B  }
0xa8: {  	_ =	swait.ge [sflag:s23], $0x1  }
0xa9: {  	[sflag:s23] =	ssyncset.done $0x0  }
0xaa: {  	s25 =	simm.s32 $0x1B8E;
	s24 =	sld [smem:$0x3FFE];
	[sflag:s23] =	ssyncadd.s32 $0xFFFFFFFF  }
0xab: {  	s26 =	simm.s32 $execute0_lowered;
	[smem:$0x3FD2] =	sst s25  }
0xac: {  	s7 =	sshll.u32 s26, $0x1;
	_ =	strace $0x80000046;
	[dreg:$0x1] =	wrdreg $0xFFFFFFFF  }
0xad: {  	s28 =	simm.s32 $_size_execute0_lowered;
	s5 =	sadd.s32 s5, s7;
	[dreg:$0x0] =	wrdreg $0x0  }
0xae: {  	s7 =	sshll.u32 s28, $0x1;
	[dreg:$0x2] =	wrdreg s5  }
0xaf: {  	[dreg:$0x3] =	wrdreg s7  }
0xb0: {  	[dreg:$0x4] =	wrdreg $0xC0  }
0xb1: {  	_ =	task [dreg:s9], $0x5FFFF  }
0xb2: {  	[dreg:$0x1] =	wrdreg $0xFFFFFFFF  }
0xb3: {  	[dreg:$0x0] =	wrdreg $0x60  }
0xb4: {  	[dreg:$0x2] =	wrdreg s24  }
0xb5: {  	[dreg:$0x3] =	wrdreg s15  }
0xb6: {  	[dreg:$0x4] =	wrdreg s16  }
0xb7: {  	[dreg:$0x5] =	wrdreg s17  }
0xb8: {  	[dreg:$0x6] =	wrdreg $0x59000  }
0xb9: {  	[dreg:$0x7] =	wrdreg $0x9  }
0xba: {  	_ =	task.clear_ibuf [dreg:s9], $0x8FFFF;
	_ =	strace $0x90000046  }
0xbb: {  	s29 =	simm.s32 $0x9;
	_ =	strace $0x80000048  }
0xbc: {  	_ =	swait.ge [sflag:s29], $0x1  }
0xbd: {  	[sflag:s29] =	ssyncadd.s32 $0xFFFFFFFF  }
0xbe: {  	_ =	strace $0x90000048  }
0xbf: {  	_ =	sfence  }
0xc0: {  	s30 =	sld [smem:$0x0];
	_ =	sdelay $0x2  }
0xc1: {  	s31 =	sshll.u32 s1, $0xD;
	s1 =	sshrl.u32 s1, $0x2  }
0xc2: {  	s3 =	sand.u32 $0x4000, s31;
	s1 =	sadd.s32 s1, s30  }
0xc3: {  	s0 =	sor.u32 s3, s0;
	s1 =	sshll.u32 s1, $0x11  }
0xc4: {  	s0 =	sor.u32 s1, s0  }
0xc5: {  	s0 =	sadd.s32 $0x8F2B, s0  }
0xc6: {  	[sflag:s0] =	ssyncadd.remote.s32 $0x1  }
0xc7: {  	_ =	sfence.sel $0xFFFF  }
0xc8: {  	[dreg:$0x0] =	wrdreg $0xFFFFFFFF;
	(pc) =	sbr.abs _section_cstart, $3  }
0xc9: {  	[dreg:$0x1] =	wrdreg $0xFFFFFFFF  }
0xca: {  	_ =	task.clear_ibuf [dreg:s9], $0x2FFFF;
	_ =	strace $0x9FFFFFFF  }
0xcb: {  	(tm) =	ssettm $0x7FFFFFFF  }
tec
execute0_lowered:
.L_overlay_start_1:
0x0: {  	(tag) =	ssettag $0x1  }
0x1: {  	s6 =	rddreg [dreg:$0x0]  }
0x2: {  	s7 =	rddreg [dreg:$0x1]  }
0x3: {  	s8 =	rddreg [dreg:$0x2]  }
0x4: {  	s9 =	rddreg [dreg:$0x3]  }
0x5: {  	s2 =	rddreg [dreg:$0x4];
	s3 =	srdreg.scid  }
0x6: {  	s0 =	rddreg [dreg:$0x5];
	s1 =	stileid.u32  }
0x7: {  	s14 =	simm.s32 $0x3;
	s15 =	simm.s32 $0x3000;
	s16 =	simm.s32 $0x4000  }
0x8: {  	s17 =	simm.s32 $0x5000;
	s18 =	simm.s32 $0x4;
	s19 =	simm.s32 $0x2  }
0x9: {  	s20 =	simm.s32 $0x0;
	s10 =	sand.u32 $0x1, s3;
	s3 =	simm.s32 $0x0  }
0xa: {  	s4 =	sshll.u32 s1, $0x4;
	s13 =	sshll.u32 s1, $0xA;
	s31 =	sshll.u32 s1, $0x7  }
0xb: {  	p0 =	sgt.u32 s1, $0x7;
	s5 =	sshll.u32 s10, $0x7;
	[smem:$0x7FF] =	sst s3  }
0xc: {  	s12 =	ssub.s32 $0x2, s10;
	s10 =	sshll.u32 s10, $0x9;
	s11 =	sadd.s32 s4, s5  }
0xd: {  	_ =	strace $0x80000047;
	s5 =	sadd.s32 $0x1200, s6;
	s30 =	sshrl.u32 s12, $0x1  }
0xe: {  	s10 =	sor.u32 s10, s13;
	s13 =	simm.s32 $0x1;
	s11 =	sshrl.u32 s11, $0x3  }
0xf: {  	s12 =	ssub.s32 s12, s30;
	s11 =	sadd.s32 s11, s6;
	s6 =	sadd.s32 s7, s10  }
0x10: {  	s7 =	sadd.s32 s8, s10;
	s8 =	sadd.s32 s9, s10;
	s9 =	sadd.s32 s31, s2  }
0x11: {  	s10 =	sadd.s32 $0x1600, s11;
	s11 =	smax.u32 s12, $0x1;
	s12 =	simm.s32 $0x2000  }
.LBB2_1:
0x12: {  	[tilespmem:s3], [sflag:$0x1] =	stream.linear.gather [hbm4b:s5+s3], $0x2000, $0x38;
	[tilespmem:$0x5980] =	vst v63  }
0x13: {  	_ = 	snop  }
0x14: {  	[tilespmem:s12], [sflag:$0x3] =	stream.linear.gather [hbm4b:s6+s3], $0x1000, $0x38;
	[tilespmem:$0x5980] =	vst v63  }
0x15: {  	_ =	swait.ge [sflag:s13], $0x2000  }
0x16: {  	[sflag:s13] =	ssyncset.done $0x0  }
0x17: {  	[sflag:s13] =	ssyncadd.s32 $0xFFFFE000  }
0x18: {  	_ =	swait.ge [sflag:s14], $0x1000  }
0x19: {  	[sflag:s14] =	ssyncset.done $0x0  }
0x1a: {  	s21 =	simm.s32 $0x0;
	[sflag:s14] =	ssyncadd.s32 $0xFFFFF000  }
0x1b: {  	v0 =	vld [tilespmem:s21+$0x2000];
	_ =	sdelay $0x6  }
0x1c: {  	v1 =	vld [tilespmem:s21+$0x2010]  }
0x1d: {  	v0 =	vld.idx.msk [tilespmem:v0+s3+$0x0], $0xffff;
	_ =	sdelay $0x4  }
0x1e: {  	v2 =	vshll.u32 v0, $0x10  }
0x1f: {  	v0 =	vand.u32 $0xFFFF0000, v0;
	[tilespmem:s21+$0x3000] =	vst v2  }
0x20: {  	v3 =	vld [tilespmem:s21+$0x2020];
	[tilespmem:s21+$0x4000] =	vst v0  }
0x21: {  	v1 =	vld.idx.msk [tilespmem:v1+s3+$0x0], $0xffff;
	_ =	sdelay $0x4  }
0x22: {  	v4 =	vshll.u32 v1, $0x10  }
0x23: {  	v7 =	vand.u32 $0xFFFF0000, v1;
	[tilespmem:s21+$0x3010] =	vst v4  }
0x24: {  	v8 =	vld [tilespmem:s21+$0x2030];
	[tilespmem:s21+$0x4010] =	vst v7  }
0x25: {  	v1 =	vld.idx.msk [tilespmem:v3+s3+$0x0], $0xffff;
	_ =	sdelay $0x4  }
0x26: {  	v10 =	vand.u32 $0xFFFF0000, v1  }
0x27: {  	v11 =	vshll.u32 v1, $0x10;
	[tilespmem:s21+$0x4020] =	vst v10  }
0x28: {  	v3 =	vimm.f32 $0.0e+00;
	[tilespmem:s21+$0x3020] =	vst v11  }
0x29: {  	s23 =	simm.s32 $0x80;
	v5 =	vadd.f32 v2, v3;
	v6 =	vadd.f32 v4, v3;
	v9 =	vld.idx.msk [tilespmem:v8+s3+$0x0], $0xffff  }
0x2a: {  	v1 =	vadd.f32 v0, v3;
	v0 =	vadd.f32 v7, v3;
	v8 =	vld [tilespmem:s23+$0x2000]  }
0x2b: {  	s22 =	simm.s32 $0x400;
	v4 =	vimm.f32 $0.0e+00;
	v7 =	vadd.f32 v11, v3;
	v2 =	vadd.f32 v10, v3  }
.LBB2_2:
0x2c: {  	p1 =	sne.s32 s22, $0x3E00;
	_ =	sdelay $0x2  }
0x2d: {  	v10 =	vshll.u32 v9, $0x10;
	v9 =	vand.u32 $0xFFFF0000, v9  }
0x2e: {  	v3 =	vadd.f32 v10, v3;
	v4 =	vadd.f32 v9, v4;
	[tilespmem:s21+$0x3030] =	vst v10  }
0x2f: {  	[tilespmem:s21+$0x4030] =	vst v9;
	s21 =	smov.u32 s23  }
0x30: {  	v8 =	vld.idx.msk [tilespmem:v8+s3+$0x0], $0xffff  }
0x31: {  	v9 =	vld [tilespmem:s21+$0x2010];
	_ =	sdelay $0x4  }
0x32: {  	v10 =	vshll.u32 v8, $0x10  }
0x33: {  	v8 =	vand.u32 $0xFFFF0000, v8;
	v5 =	vadd.f32 v10, v5;
	[tilespmem:s21+$0x3000] =	vst v10  }
0x34: {  	v1 =	vadd.f32 v8, v1;
	[tilespmem:s21+$0x4000] =	vst v8  }
0x35: {  	v8 =	vld.idx.msk [tilespmem:v9+s3+$0x0], $0xffff  }
0x36: {  	v9 =	vld [tilespmem:s21+$0x2020];
	_ =	sdelay $0x4  }
0x37: {  	v10 =	vshll.u32 v8, $0x10  }
0x38: {  	v8 =	vand.u32 $0xFFFF0000, v8;
	v6 =	vadd.f32 v10, v6;
	[tilespmem:s21+$0x3010] =	vst v10  }
0x39: {  	v0 =	vadd.f32 v8, v0;
	[tilespmem:s21+$0x4010] =	vst v8  }
0x3a: {  	v8 =	vld.idx.msk [tilespmem:v9+s3+$0x0], $0xffff  }
0x3b: {  	v9 =	vld [tilespmem:s21+$0x2030];
	_ =	sdelay $0x4  }
0x3c: {  	v10 =	vshll.u32 v8, $0x10;
	v8 =	vand.u32 $0xFFFF0000, v8  }
.Ltmp0:
0x3d: {  	v7 =	vadd.f32 v10, v7;
	v2 =	vadd.f32 v8, v2;
	[tilespmem:s21+$0x4020] =	vst v8;
	(pc) =	sbr.rel @p1 .LBB2_2-.Ltmp0, $4  }
0x3e: {  	[tilespmem:s21+$0x3020] =	vst v10  }
0x3f: {  	s23 =	sshra.s32 s22, $0x2;
	v9 =	vld.idx.msk [tilespmem:v9+s3+$0x0], $0xffff  }
0x40: {  	v8 =	vld [tilespmem:s23+$0x2000]  }
0x41: {  	s22 =	sadd.s32 $0x200, s22  }
0x42: {  	_ =	sdelay $0x3  }
0x43: {  	v10 =	vshll.u32 v9, $0x10  }
0x44: {  	v60 =	vand.u32 $0xFFFF0000, v9;
	[tilespmem:s21+$0x3030] =	vst v10  }
0x45: {  	[tilespmem:s21+$0x4030] =	vst v60  }
0x46: {  	v8 =	vld.idx.msk [tilespmem:v8+s3+$0x0], $0xffff  }
0x47: {  	v11 =	vld [tilespmem:s23+$0x2010];
	_ =	sdelay $0x4  }
0x48: {  	v12 =	vshll.u32 v8, $0x10  }
0x49: {  	v8 =	vand.u32 $0xFFFF0000, v8;
	[tilespmem:s23+$0x3000] =	vst v12  }
0x4a: {  	v13 =	vld [tilespmem:s23+$0x2020];
	[tilespmem:s23+$0x4000] =	vst v8  }
0x4b: {  	v11 =	vld.idx.msk [tilespmem:v11+s3+$0x0], $0xffff;
	_ =	sdelay $0x4  }
0x4c: {  	v14 =	vshll.u32 v11, $0x10  }
0x4d: {  	v11 =	vand.u32 $0xFFFF0000, v11;
	[tilespmem:s23+$0x3010] =	vst v14  }
0x4e: {  	v15 =	vld [tilespmem:s23+$0x2030];
	[tilespmem:s23+$0x4010] =	vst v11  }
0x4f: {  	v13 =	vld.idx.msk [tilespmem:v13+s3+$0x0], $0xffff;
	_ =	sdelay $0x4  }
0x50: {  	v16 =	vand.u32 $0xFFFF0000, v13  }
0x51: {  	v13 =	vshll.u32 v13, $0x10;
	[tilespmem:s23+$0x4020] =	vst v16  }
0x52: {  	[tilespmem:s23+$0x3020] =	vst v13  }
0x53: {  	v15 =	vld.idx.msk [tilespmem:v15+s3+$0x0], $0xffff;
	_ =	sdelay $0x4  }
0x54: {  	v17 =	vshll.u32 v15, $0x10  }
0x55: {  	v15 =	vand.u32 $0xFFFF0000, v15;
	[tilespmem:s23+$0x3030] =	vst v17  }
0x56: {  	v5 =	vadd.f32 v12, v5;
	[tilespmem:s23+$0x4030] =	vst v15  }
0x57: {  	v3 =	vadd.f32 v10, v3;
	v6 =	vadd.f32 v14, v6;
	[hbm4b:s7+s3] =	stream.linear.scatter [tilespmem:s15], [sflag:$0x1], $0x1000, $0x38;
	[tilespmem:$0x5980] =	vst v63  }
0x58: {  	v5 =	vmul.f32 $9.765625000e-04, v5;
	v7 =	vadd.f32 v13, v7  }
0x59: {  	v6 =	vmul.f32 $9.765625000e-04, v6;
	v3 =	vadd.f32 v17, v3;
	[hbm4b:s8+s3] =	stream.linear.scatter [tilespmem:s16], [sflag:$0x2], $0x1000, $0x38;
	[tilespmem:$0x5980] =	vst v63  }
0x5a: {  	v1 =	vadd.f32 v8, v1;
	v61 =	vmul.f32 $9.765625000e-04, v7;
	[tilespmem:$0x5000] =	vst v5  }
0x5b: {  	v4 =	vadd.f32 v60, v4;
	v0 =	vadd.f32 v11, v0;
	v3 =	vmul.f32 $9.765625000e-04, v3;
	[tilespmem:$0x5010] =	vst v6  }
0x5c: {  	v1 =	vmul.f32 $9.765625000e-04, v1;
	v2 =	vadd.f32 v16, v2;
	[tilespmem:$0x5020] =	vst v61  }
0x5d: {  	v0 =	vmul.f32 $9.765625000e-04, v0;
	v4 =	vadd.f32 v15, v4;
	[tilespmem:$0x5030] =	vst v3  }
0x5e: {  	v62 =	vmul.f32 $9.765625000e-04, v2;
	[tilespmem:$0x5040] =	vst v1  }
0x5f: {  	v63 =	vmul.f32 $9.765625000e-04, v4;
	[tilespmem:$0x5050] =	vst v0  }
0x60: {  	[tilespmem:$0x5060] =	vst v62  }
0x61: {  	[tilespmem:$0x5070] =	vst v63  }
0x62: {  	[spmem:s9] =	stream.linear.scatter [tilespmem:s17], [sflag:$0x4], $0x80, $0x38;
	[tilespmem:$0x5980] =	vst v63  }
0x63: {  	_ =	swait.ge [sflag:s18], $0x80  }
0x64: {  	[sflag:s18] =	ssyncset.done $0x0  }
0x65: {  	[sflag:s18] =	ssyncadd.s32 $0xFFFFFF80  }
0x66: {  	s21 =	simm.s32 @!p0 $0x5080;
	[bflag:$0x0] =	sbarrier.arrive $0xFFFF  }
0x67: {  	[tilespmem:s21], [sflag:$0x4] =	stream.linear.gather @!p0 [spmem:s2], $0x800, $0x38;
	[tilespmem:$0x5980] =	vst v63  }
0x68: {  	s21 =	simm.s32 @!p0 $0x4  }
0x69: {  	_ =	swait.ge @!p0 [sflag:s21], $0x800  }
0x6a: {  	[sflag:s21] =	ssyncset.done @!p0 $0x0  }
0x6b: {  	[sflag:s21] =	ssyncadd.s32 @!p0 $0xFFFFF800  }
0x6c: {  	v0 =	vld @!p0 [tilespmem:s4+$0x5080]  }
0x6d: {  	v1 =	vld @!p0 [tilespmem:s4+$0x5100];
	_ =	sdelay $0x1  }
0x6e: {  	v2 =	vld @!p0 [tilespmem:s4+$0x5180];
	_ =	sdelay $0x1  }
0x6f: {  	v3 =	vld @!p0 [tilespmem:s4+$0x5200]  }
0x70: {  	v0 =	vadd.f32 @!p0 v1, v0  }
0x71: {  	v1 =	vld @!p0 [tilespmem:s4+$0x5280]  }
0x72: {  	v0 =	vadd.f32 @!p0 v2, v0  }
0x73: {  	v2 =	vld @!p0 [tilespmem:s4+$0x5300]  }
0x74: {  	v0 =	vadd.f32 @!p0 v3, v0  }
0x75: {  	v3 =	vld @!p0 [tilespmem:s4+$0x5380]  }
0x76: {  	v0 =	vadd.f32 @!p0 v1, v0  }
0x77: {  	v1 =	vld @!p0 [tilespmem:s4+$0x5400]  }
0x78: {  	v0 =	vadd.f32 @!p0 v2, v0  }
0x79: {  	v2 =	vld @!p0 [tilespmem:s4+$0x5480]  }
0x7a: {  	v0 =	vadd.f32 @!p0 v3, v0  }
0x7b: {  	v3 =	vld @!p0 [tilespmem:s4+$0x5500]  }
0x7c: {  	v0 =	vadd.f32 @!p0 v1, v0  }
0x7d: {  	v1 =	vld @!p0 [tilespmem:s4+$0x5580]  }
0x7e: {  	v0 =	vadd.f32 @!p0 v2, v0  }
0x7f: {  	v2 =	vld @!p0 [tilespmem:s4+$0x5600]  }
0x80: {  	v0 =	vadd.f32 @!p0 v3, v0  }
0x81: {  	v3 =	vld @!p0 [tilespmem:s4+$0x5680]  }
0x82: {  	v0 =	vadd.f32 @!p0 v1, v0  }
0x83: {  	v1 =	vld @!p0 [tilespmem:s4+$0x5700]  }
0x84: {  	v0 =	vadd.f32 @!p0 v2, v0  }
0x85: {  	v2 =	vld @!p0 [tilespmem:s4+$0x5780]  }
0x86: {  	v0 =	vadd.f32 @!p0 v3, v0  }
0x87: {  	v3 =	vld @!p0 [tilespmem:s4+$0x5800]  }
0x88: {  	v0 =	vadd.f32 @!p0 v1, v0;
	_ =	sdelay $0x1  }
0x89: {  	v0 =	vadd.f32 @!p0 v2, v0;
	_ =	sdelay $0x1  }
0x8a: {  	v0 =	vadd.f32 @!p0 v3, v0;
	_ =	sdelay $0x1  }
0x8b: {  	s22 =	simm.s32 @!p0 $0x0;
	s23 =	simm.s32 @!p0 $0x5880;
	[tilespmem:$0x5880] =	vst @!p0 v0  }
0x8c: {  	[hbm4b:s10+s22] =	stream.linear.scatter @!p0 [tilespmem:s23], [sflag:$0x4], $0x10, $0x38;
	[tilespmem:$0x5980] =	vst v63  }
0x8d: {  	_ =	swait.ge @!p0 [sflag:s21], $0x10  }
0x8e: {  	[sflag:s21] =	ssyncset.done @!p0 $0x0  }
0x8f: {  	s20 =	sadd.s32 $0x1, s20;
	[sflag:s21] =	ssyncadd.s32 @!p0 $0xFFFFFFF0  }
0x90: {  	p1 =	sne.s32 s20, s11;
	_ =	swait.ge [sflag:s13], $0x1000  }
.Ltmp1:
0x91: {  	[sflag:s13] =	ssyncset.done $0x0;
	(pc) =	sbr.rel @p1 .LBB2_1-.Ltmp1, $4  }
0x92: {  	[sflag:s13] =	ssyncadd.s32 $0xFFFFF000  }
0x93: {  	_ =	swait.ge [sflag:s19], $0x1000  }
0x94: {  	[sflag:s19] =	ssyncset.done $0x0  }
0x95: {  	[sflag:s19] =	ssyncadd.s32 $0xFFFFF000  }
0x96: {  	_ =	sfence.sel $0x180000  }
0x97: {  	[bflag:$0x0] =	sbarrier.arrive $0xFFFF  }
0x98: {  	p0 =	sne.s32 s1, $0x0;
	_ =	strace $0x90000047  }
0x99: {  	s0 =	sadd.s32 @!p0 $0x100000, s0;
	[bflag:$0x2] =	sbarrier.arrive $0xFFFF  }
0x9a: {  	[sflag:s0] =	ssyncadd.tile.s32 @!p0 $0x1;
	_ =	shalt  }
.Lfunc_end2:
_tile_overlayer_lowered:
.L_overlay_start_2:
0x9b: {  	(tag) =	ssettag $0x2  }
0x9c: {  	s0 =	rddreg [dreg:$0x0];
	s2 =	stileid.u32  }
0x9d: {  	s1 =	rddreg [dreg:$0x1];
	p0 =	sne.s32 s2, $0x0  }
0x9e: {  	s3 =	rddreg [dreg:$0x2];
	[bflag:$0x3] =	sbarrier.arrive $0xFFFF;
	s2 =	simm.s32 @!p0 $0x1C04  }
0x9f: {  	[timem:s3], [sflag:s2] =	dma.local @!p0 [hbm:s0], s1  }
0xa0: {  	s0 =	simm.s32 @!p0 $0x4  }
0xa1: {  	_ =	swait.ge @!p0 [sflag:s0], s1  }
0xa2: {  	s1 =	ssub.s32 @!p0 $0x0, s1;
	[sflag:s0] =	ssyncset.done @!p0 $0x0  }
0xa3: {  	[sflag:s0] =	ssyncadd.s32 @!p0 s1  }
0xa4: {  	[bflag:$0x3] =	sbarrier.arrive $0xFFFF  }
0xa5: {  	_ =	shalt  }

</sc_bundles>
